<compile_context>
chip_gen: v7x
topology: tpu7x:2x2x1
jax: 0.10.2.dev20260603
libtpu: 0.0.44.dev20260713+nightly
codegen_flags: <defaults>
</compile_context>

<pallas_src>
import jax
import jax.numpy as jnp
from jax import lax
from jax.experimental import pallas as pl
from jax.experimental.pallas import tpu as pltpu
from jax.experimental.pallas import tpu_sc as plsc

PATH_LEN = 20
EMBED_SIZE = 64
LANES = 16
BLK = 128


def _sc_body(ce_hbm, idx_hbm, bm_hbm, matT_hbm, fac_hbm, res_hbm,
             idx_v, ce_v, bm_v, blk_v, vbuf_v, all_v, out_v, sem0, sem1):
    t = lax.axis_index("s")

    pltpu.sync_copy(idx_hbm, idx_v.at[pl.ds(0, PATH_LEN)])
    pltpu.sync_copy(ce_hbm, ce_v)
    pltpu.sync_copy(bm_hbm, bm_v.at[pl.ds(0, PATH_LEN)])

    lane = lax.iota(jnp.int32, LANES)
    tv = jnp.full((LANES,), t, jnp.int32)
    qv = jnp.where(tv < (PATH_LEN - LANES), tv + LANES, tv)

    def splat(ref, pvec):
        return plsc.load_gather(ref, [pvec])

    def copy_of(pvec, slot, sem):
        s = splat(idx_v, pvec)[0]
        base = pl.multiple_of(s - (s & jnp.int32(BLK - 1)), BLK)
        return pltpu.make_async_copy(
            matT_hbm.at[:, pl.ds(base, BLK)], blk_v.at[slot], sem
        )

    copy_of(tv, 0, sem0).start()
    copy_of(qv, 1, sem1).start()

    cev = [ce_v[pl.ds(c * LANES, LANES)] for c in range(EMBED_SIZE // LANES)]

    def dot_of(slot, ccv):
        acc = plsc.load_gather(blk_v.at[slot], [lane, ccv]) * cev[0]
        for c in range(1, EMBED_SIZE // LANES):
            rows = lane + (c * LANES)
            acc = acc + plsc.load_gather(blk_v.at[slot], [rows, ccv]) * cev[c]
        return jnp.full((LANES,), jnp.sum(acc), jnp.float32)

    copy_of(tv, 0, sem0).wait()
    copy_of(qv, 1, sem1).wait()

    z0 = dot_of(0, splat(idx_v, tv) & jnp.int32(BLK - 1)) * splat(bm_v, tv)
    pr0 = 1.0 / (1.0 + jnp.exp(-z0))

    z1 = dot_of(1, splat(idx_v, qv) & jnp.int32(BLK - 1)) * splat(bm_v, qv)
    pr1 = 1.0 / (1.0 + jnp.exp(-z1))
    pr1 = jnp.where(tv < (PATH_LEN - LANES), pr1, jnp.float32(1.0))

    vbuf_v[...] = pr0 * pr1
    pltpu.sync_copy(vbuf_v, fac_hbm.at[t])
    plsc.subcore_barrier()

    @pl.when(t == 0)
    def _():
        pltpu.sync_copy(fac_hbm, all_v)
        col = plsc.load_gather(all_v, [lane, jnp.zeros((LANES,), jnp.int32)])
        r = col[0]
        for l in range(1, LANES):
            r = r * col[l]
        out_v[...] = jnp.full((LANES,), r, jnp.float32)
        pltpu.sync_copy(out_v, res_hbm)


@jax.jit
def _run(ce, idx, bm, matT):
    mesh = plsc.VectorSubcoreMesh(
        core_axis_name="c", subcore_axis_name="s", num_cores=1
    )
    f = pl.kernel(
        _sc_body,
        out_type=(
            jax.ShapeDtypeStruct((LANES, LANES), jnp.float32),
            jax.ShapeDtypeStruct((LANES,), jnp.float32),
        ),
        mesh=mesh,
        compiler_params=pltpu.CompilerParams(needs_layout_passes=False),
        scratch_types=[
            pltpu.VMEM((2 * LANES,), jnp.int32),
            pltpu.VMEM((EMBED_SIZE,), jnp.float32),
            pltpu.VMEM((2 * LANES,), jnp.float32),
            pltpu.VMEM((2, EMBED_SIZE, BLK), jnp.float32),
            pltpu.VMEM((LANES,), jnp.float32),
            pltpu.VMEM((LANES, LANES), jnp.float32),
            pltpu.VMEM((LANES,), jnp.float32),
            pltpu.SemaphoreType.DMA,
            pltpu.SemaphoreType.DMA,
        ],
    )
    _, res = f(ce, idx, bm, matT)
    return res[0]


def kernel(context_embedding, input_path_idxs, binary_multiplier, matrix):
    ce = context_embedding.reshape(EMBED_SIZE)
    idx = input_path_idxs.astype(jnp.int32)
    bm = binary_multiplier.reshape(PATH_LEN)
    return _run(ce, idx, bm, matrix.T)

# --- scband reference (transcript-rebuilt; emitter-appended) ---
"""Pipeline reference for scband-softmax-tree-9053791060514 (READ-ONLY COPY).

The authoritative reference and input builder live on the scoring server;
editing this copy changes nothing except your own understanding.
"""

import jax, jax.numpy as jnp
import numpy as np

TREE_SIZE = 999999  # internal nodes of Huffman tree over 1M-leaf vocab
EMBED_SIZE = 64
PATH_LEN = 20


def setup_inputs(seed: int = 0) -> dict:
    key = jax.random.key(seed)
    k1, k2, k3, k4 = jax.random.split(key, 4)
    context_embedding = jax.random.normal(k1, (1, EMBED_SIZE), dtype=jnp.float32)
    input_path_idxs = jax.random.randint(k2, (PATH_LEN,), 0, TREE_SIZE, dtype=jnp.int64) if jax.config.jax_enable_x64 else jax.random.randint(k2, (PATH_LEN,), 0, TREE_SIZE).astype(jnp.int32)
    binary_multiplier = jax.random.normal(k3, (1, PATH_LEN), dtype=jnp.float32)
    # learned parameter: embedding matrix over internal tree nodes (nn.Embedding weight)
    matrix = jax.random.uniform(k4, (TREE_SIZE, EMBED_SIZE), dtype=jnp.float32,
                                minval=-1.0 / EMBED_SIZE, maxval=1.0 / EMBED_SIZE)
    return {
        "context_embedding": context_embedding,
        "input_path_idxs": input_path_idxs,
        "binary_multiplier": binary_multiplier,
        "matrix": matrix,
    }


def reference(context_embedding, input_path_idxs, binary_multiplier, matrix):
    # input_vectors = self.matrix(input_path_idxs)  -> embedding gather
    input_vectors = jnp.take(matrix, input_path_idxs, axis=0)  # [PATH_LEN, EMBED_SIZE]
    # context_embedding = transpose(context_embedding, 1, 0)
    ce_t = jnp.transpose(context_embedding)  # [EMBED_SIZE, 1]
    probs = jnp.matmul(input_vectors, ce_t)  # [PATH_LEN, 1]
    probs = jnp.squeeze(probs, axis=1)  # [PATH_LEN]
    bm = jnp.squeeze(binary_multiplier, axis=0)  # [PATH_LEN]
    probs = probs * bm
    probs = jax.nn.sigmoid(probs)
    prob = jnp.prod(probs)
    return prob

if __name__ == "__main__":
    import jax
    _d = setup_inputs()
    print(jax.jit(kernel)(*tuple(_d.values())))

</pallas_src>

<mosaic_0001>
#map = affine_map<(d0, d1) -> (0)>
#map1 = affine_map<(d0, d1) -> (0, 0)>
module attributes {stable_mosaic.version = 14 : i64} {
  func.func @_sc_body(%arg0: i32, %arg1: i32, %arg2: memref<64xf32, #tpu.memory_space<hbm>>, %arg3: memref<20xi32, #tpu.memory_space<hbm>>, %arg4: memref<20xf32, #tpu.memory_space<hbm>>, %arg5: memref<64x999999xf32, #tpu.memory_space<hbm>>, %arg6: memref<16x16xf32, #tpu.memory_space<hbm>>, %arg7: memref<16xf32, #tpu.memory_space<hbm>>, %arg8: memref<32xi32, #tpu.memory_space<vmem>>, %arg9: memref<64xf32, #tpu.memory_space<vmem>>, %arg10: memref<32xf32, #tpu.memory_space<vmem>>, %arg11: memref<2x64x128xf32, #tpu.memory_space<vmem>>, %arg12: memref<16xf32, #tpu.memory_space<vmem>>, %arg13: memref<16x16xf32, #tpu.memory_space<vmem>>, %arg14: memref<16xf32, #tpu.memory_space<vmem>>, %arg15: memref<!tpu.dma_semaphore, #tpu.memory_space<semaphore_mem>>, %arg16: memref<!tpu.dma_semaphore, #tpu.memory_space<semaphore_mem>>) attributes {dimension_semantics = [#tpu.dimension_semantics<core_parallel>, #tpu.dimension_semantics<subcore_parallel>], iteration_bounds = array<i64: 1, 16>, scalar_prefetch = 0 : i64, scratch_operands = 9 : i64, tpu.core_type = #tpu.core_type<sc_vector_subcore>, window_params = [{transform_indices = #map}, {transform_indices = #map}, {transform_indices = #map}, {transform_indices = #map1}, {transform_indices = #map1}, {transform_indices = #map}]} {
    "tpu.region"() ({
      %run_scoped3A = tpu.sem_alloc : memref<!tpu.dma_semaphore, #tpu.memory_space<semaphore_mem>>
      %dma_start3A_209 = arith.constant 0 : i32
      %dma_start3A_210 = tpu.memref_slice %arg8[%dma_start3A_209] : memref<32xi32, #tpu.memory_space<vmem>> -> memref<20xi32, #tpu.memory_space<vmem>>
      %dma_start3A_211 = arith.constant 0 : i32
      %dma_start3A_212 = tpu.memref_slice %arg8[%dma_start3A_211] : memref<32xi32, #tpu.memory_space<vmem>> -> memref<20xi32, #tpu.memory_space<vmem>>
      tpu.enqueue_dma source(%arg3 : memref<20xi32, #tpu.memory_space<hbm>>) target(%dma_start3A_212 : memref<20xi32, #tpu.memory_space<vmem>>) target_semaphore(%run_scoped3A : memref<!tpu.dma_semaphore, #tpu.memory_space<semaphore_mem>>)
      %dma_wait3A_213 = arith.constant 0 : i32
      %dma_wait3A_214 = tpu.memref_slice %arg8[%dma_wait3A_213] : memref<32xi32, #tpu.memory_space<vmem>> -> memref<20xi32, #tpu.memory_space<vmem>>
      %dma_wait3A_215 = arith.constant 0 : i32
      %dma_wait3A_216 = tpu.memref_slice %arg8[%dma_wait3A_215] : memref<32xi32, #tpu.memory_space<vmem>> -> memref<20xi32, #tpu.memory_space<vmem>>
      tpu.wait_dma2 semaphore(%run_scoped3A : memref<!tpu.dma_semaphore, #tpu.memory_space<semaphore_mem>>) src(%arg3 : memref<20xi32, #tpu.memory_space<hbm>>) dst(%dma_wait3A_216 : memref<20xi32, #tpu.memory_space<vmem>>)
      tpu.yield
    }) : () -> ()
    "tpu.region"() ({
      %run_scoped3A = tpu.sem_alloc : memref<!tpu.dma_semaphore, #tpu.memory_space<semaphore_mem>>
      tpu.enqueue_dma source(%arg2 : memref<64xf32, #tpu.memory_space<hbm>>) target(%arg9 : memref<64xf32, #tpu.memory_space<vmem>>) target_semaphore(%run_scoped3A : memref<!tpu.dma_semaphore, #tpu.memory_space<semaphore_mem>>)
      tpu.wait_dma2 semaphore(%run_scoped3A : memref<!tpu.dma_semaphore, #tpu.memory_space<semaphore_mem>>) src(%arg2 : memref<64xf32, #tpu.memory_space<hbm>>) dst(%arg9 : memref<64xf32, #tpu.memory_space<vmem>>)
      tpu.yield
    }) : () -> ()
    "tpu.region"() ({
      %run_scoped3A = tpu.sem_alloc : memref<!tpu.dma_semaphore, #tpu.memory_space<semaphore_mem>>
      %dma_start3A_209 = arith.constant 0 : i32
      %dma_start3A_210 = tpu.memref_slice %arg10[%dma_start3A_209] : memref<32xf32, #tpu.memory_space<vmem>> -> memref<20xf32, #tpu.memory_space<vmem>>
      %dma_start3A_211 = arith.constant 0 : i32
      %dma_start3A_212 = tpu.memref_slice %arg10[%dma_start3A_211] : memref<32xf32, #tpu.memory_space<vmem>> -> memref<20xf32, #tpu.memory_space<vmem>>
      tpu.enqueue_dma source(%arg4 : memref<20xf32, #tpu.memory_space<hbm>>) target(%dma_start3A_212 : memref<20xf32, #tpu.memory_space<vmem>>) target_semaphore(%run_scoped3A : memref<!tpu.dma_semaphore, #tpu.memory_space<semaphore_mem>>)
      %dma_wait3A_213 = arith.constant 0 : i32
      %dma_wait3A_214 = tpu.memref_slice %arg10[%dma_wait3A_213] : memref<32xf32, #tpu.memory_space<vmem>> -> memref<20xf32, #tpu.memory_space<vmem>>
      %dma_wait3A_215 = arith.constant 0 : i32
      %dma_wait3A_216 = tpu.memref_slice %arg10[%dma_wait3A_215] : memref<32xf32, #tpu.memory_space<vmem>> -> memref<20xf32, #tpu.memory_space<vmem>>
      tpu.wait_dma2 semaphore(%run_scoped3A : memref<!tpu.dma_semaphore, #tpu.memory_space<semaphore_mem>>) src(%arg4 : memref<20xf32, #tpu.memory_space<hbm>>) dst(%dma_wait3A_216 : memref<20xf32, #tpu.memory_space<vmem>>)
      tpu.yield
    }) : () -> ()
    %iota3A = tpu.iota {dimensions = array<i32: 0>} : vector<16xi32>
    %broadcast_in_dim3A = vector.broadcast %arg1 : i32 to vector<16xi32>
    %lt3A = arith.constant 4 : i32
    %lt3A_0 = vector.broadcast %lt3A : i32 to vector<16xi32>
    %lt3A_1 = arith.cmpi slt, %broadcast_in_dim3A, %lt3A_0 : vector<16xi32>
    %add3A = arith.constant 16 : i32
    %add3A_2 = vector.broadcast %add3A : i32 to vector<16xi32>
    %add3A_3 = arith.addi %broadcast_in_dim3A, %add3A_2 : vector<16xi32>
    %select_n3A = arith.select %lt3A_1, %add3A_3, %broadcast_in_dim3A : vector<16xi1>, vector<16xi32>
    %gather3A = tpu.vector_load_idx %arg8[%broadcast_in_dim3A] : memref<32xi32, #tpu.memory_space<vmem>>[vector<16xi32>], vector<16xi32>,
    %slice3A = vector.extract_strided_slice %gather3A {offsets = [0], sizes = [1], strides = [1]} : vector<16xi32> to vector<1xi32>
    %squeeze3A = vector.extract %slice3A[0] : i32 from vector<1xi32>
    %and3A = arith.constant 127 : i32
    %and3A_4 = arith.andi %squeeze3A, %and3A : i32
    %sub3A = arith.subi %squeeze3A, %and3A_4 : i32
    %multiple_of3A = tpu.assume_multiple %sub3A, 128 : i32
    %dma_start3A = arith.constant 0 : i32
    %dma_start3A_5 = arith.constant 0 : i32
    %dma_start3A_6 = arith.constant 0 : i32
    %dma_start3A_7 = tpu.memref_slice %arg11[%dma_start3A, %dma_start3A_5, %dma_start3A_6] : memref<2x64x128xf32, #tpu.memory_space<vmem>> -> memref<1x64x128xf32, #tpu.memory_space<vmem>>
    %dma_start3A_8 = tpu.memref_squeeze %dma_start3A_7 : memref<1x64x128xf32, #tpu.memory_space<vmem>> -> memref<64x128xf32, #tpu.memory_space<vmem>>
    %dma_start3A_9 = arith.constant 0 : i32
    %dma_start3A_10 = tpu.memref_slice %arg5[%dma_start3A_9, %multiple_of3A] : memref<64x999999xf32, #tpu.memory_space<hbm>> -> memref<64x128xf32, #tpu.memory_space<hbm>>
    %dma_start3A_11 = arith.constant 0 : i32
    %dma_start3A_12 = arith.constant 0 : i32
    %dma_start3A_13 = tpu.memref_slice %arg11[%dma_start3A, %dma_start3A_11, %dma_start3A_12] : memref<2x64x128xf32, #tpu.memory_space<vmem>> -> memref<1x64x128xf32, #tpu.memory_space<vmem>>
    %dma_start3A_14 = tpu.memref_squeeze %dma_start3A_13 : memref<1x64x128xf32, #tpu.memory_space<vmem>> -> memref<64x128xf32, #tpu.memory_space<vmem>>
    %dma_start3A_15 = arith.constant 0 : i32
    %dma_start3A_16 = tpu.memref_slice %arg5[%dma_start3A_15, %multiple_of3A] : memref<64x999999xf32, #tpu.memory_space<hbm>> -> memref<64x128xf32, #tpu.memory_space<hbm>>
    tpu.enqueue_dma source(%dma_start3A_16 : memref<64x128xf32, #tpu.memory_space<hbm>>) target(%dma_start3A_14 : memref<64x128xf32, #tpu.memory_space<vmem>>) target_semaphore(%arg15 : memref<!tpu.dma_semaphore, #tpu.memory_space<semaphore_mem>>)
    %gather3A_17 = tpu.vector_load_idx %arg8[%select_n3A] : memref<32xi32, #tpu.memory_space<vmem>>[vector<16xi32>], vector<16xi32>,
    %slice3A_18 = vector.extract_strided_slice %gather3A_17 {offsets = [0], sizes = [1], strides = [1]} : vector<16xi32> to vector<1xi32>
    %squeeze3A_19 = vector.extract %slice3A_18[0] : i32 from vector<1xi32>
    %and3A_20 = arith.constant 127 : i32
    %and3A_21 = arith.andi %squeeze3A_19, %and3A_20 : i32
    %sub3A_22 = arith.subi %squeeze3A_19, %and3A_21 : i32
    %multiple_of3A_23 = tpu.assume_multiple %sub3A_22, 128 : i32
    %dma_start3A_24 = arith.constant 1 : i32
    %dma_start3A_25 = arith.constant 0 : i32
    %dma_start3A_26 = arith.constant 0 : i32
    %dma_start3A_27 = tpu.memref_slice %arg11[%dma_start3A_24, %dma_start3A_25, %dma_start3A_26] : memref<2x64x128xf32, #tpu.memory_space<vmem>> -> memref<1x64x128xf32, #tpu.memory_space<vmem>>
    %dma_start3A_28 = tpu.memref_squeeze %dma_start3A_27 : memref<1x64x128xf32, #tpu.memory_space<vmem>> -> memref<64x128xf32, #tpu.memory_space<vmem>>
    %dma_start3A_29 = arith.constant 0 : i32
    %dma_start3A_30 = tpu.memref_slice %arg5[%dma_start3A_29, %multiple_of3A_23] : memref<64x999999xf32, #tpu.memory_space<hbm>> -> memref<64x128xf32, #tpu.memory_space<hbm>>
    %dma_start3A_31 = arith.constant 0 : i32
    %dma_start3A_32 = arith.constant 0 : i32
    %dma_start3A_33 = tpu.memref_slice %arg11[%dma_start3A_24, %dma_start3A_31, %dma_start3A_32] : memref<2x64x128xf32, #tpu.memory_space<vmem>> -> memref<1x64x128xf32, #tpu.memory_space<vmem>>
    %dma_start3A_34 = tpu.memref_squeeze %dma_start3A_33 : memref<1x64x128xf32, #tpu.memory_space<vmem>> -> memref<64x128xf32, #tpu.memory_space<vmem>>
    %dma_start3A_35 = arith.constant 0 : i32
    %dma_start3A_36 = tpu.memref_slice %arg5[%dma_start3A_35, %multiple_of3A_23] : memref<64x999999xf32, #tpu.memory_space<hbm>> -> memref<64x128xf32, #tpu.memory_space<hbm>>
    tpu.enqueue_dma source(%dma_start3A_36 : memref<64x128xf32, #tpu.memory_space<hbm>>) target(%dma_start3A_34 : memref<64x128xf32, #tpu.memory_space<vmem>>) target_semaphore(%arg16 : memref<!tpu.dma_semaphore, #tpu.memory_space<semaphore_mem>>)
    %get3A = arith.constant 0 : index
    %get3A_37 = tpu.vector_load %arg9[%get3A] {strides = array<i32>} : memref<64xf32, #tpu.memory_space<vmem>>, vector<16xf32>,
    %get3A_38 = arith.constant 16 : index
    %get3A_39 = tpu.vector_load %arg9[%get3A_38] {strides = array<i32>} : memref<64xf32, #tpu.memory_space<vmem>>, vector<16xf32>,
    %get3A_40 = arith.constant 32 : index
    %get3A_41 = tpu.vector_load %arg9[%get3A_40] {strides = array<i32>} : memref<64xf32, #tpu.memory_space<vmem>>, vector<16xf32>,
    %get3A_42 = arith.constant 48 : index
    %get3A_43 = tpu.vector_load %arg9[%get3A_42] {strides = array<i32>} : memref<64xf32, #tpu.memory_space<vmem>>, vector<16xf32>,
    %gather3A_44 = tpu.vector_load_idx %arg8[%broadcast_in_dim3A] : memref<32xi32, #tpu.memory_space<vmem>>[vector<16xi32>], vector<16xi32>,
    %slice3A_45 = vector.extract_strided_slice %gather3A_44 {offsets = [0], sizes = [1], strides = [1]} : vector<16xi32> to vector<1xi32>
    %squeeze3A_46 = vector.extract %slice3A_45[0] : i32 from vector<1xi32>
    %and3A_47 = arith.constant 127 : i32
    %and3A_48 = arith.andi %squeeze3A_46, %and3A_47 : i32
    %sub3A_49 = arith.subi %squeeze3A_46, %and3A_48 : i32
    %multiple_of3A_50 = tpu.assume_multiple %sub3A_49, 128 : i32
    %dma_wait3A = arith.constant 0 : i32
    %dma_wait3A_51 = arith.constant 0 : i32
    %dma_wait3A_52 = arith.constant 0 : i32
    %dma_wait3A_53 = tpu.memref_slice %arg11[%dma_wait3A, %dma_wait3A_51, %dma_wait3A_52] : memref<2x64x128xf32, #tpu.memory_space<vmem>> -> memref<1x64x128xf32, #tpu.memory_space<vmem>>
    %dma_wait3A_54 = tpu.memref_squeeze %dma_wait3A_53 : memref<1x64x128xf32, #tpu.memory_space<vmem>> -> memref<64x128xf32, #tpu.memory_space<vmem>>
    %dma_wait3A_55 = arith.constant 0 : i32
    %dma_wait3A_56 = tpu.memref_slice %arg5[%dma_wait3A_55, %multiple_of3A_50] : memref<64x999999xf32, #tpu.memory_space<hbm>> -> memref<64x128xf32, #tpu.memory_space<hbm>>
    %dma_wait3A_57 = arith.constant 0 : i32
    %dma_wait3A_58 = arith.constant 0 : i32
    %dma_wait3A_59 = tpu.memref_slice %arg11[%dma_wait3A, %dma_wait3A_57, %dma_wait3A_58] : memref<2x64x128xf32, #tpu.memory_space<vmem>> -> memref<1x64x128xf32, #tpu.memory_space<vmem>>
    %dma_wait3A_60 = tpu.memref_squeeze %dma_wait3A_59 : memref<1x64x128xf32, #tpu.memory_space<vmem>> -> memref<64x128xf32, #tpu.memory_space<vmem>>
    %dma_wait3A_61 = arith.constant 0 : i32
    %dma_wait3A_62 = tpu.memref_slice %arg5[%dma_wait3A_61, %multiple_of3A_50] : memref<64x999999xf32, #tpu.memory_space<hbm>> -> memref<64x128xf32, #tpu.memory_space<hbm>>
    tpu.wait_dma2 semaphore(%arg15 : memref<!tpu.dma_semaphore, #tpu.memory_space<semaphore_mem>>) src(%dma_wait3A_62 : memref<64x128xf32, #tpu.memory_space<hbm>>) dst(%dma_wait3A_60 : memref<64x128xf32, #tpu.memory_space<vmem>>)
    %gather3A_63 = tpu.vector_load_idx %arg8[%select_n3A] : memref<32xi32, #tpu.memory_space<vmem>>[vector<16xi32>], vector<16xi32>,
    %slice3A_64 = vector.extract_strided_slice %gather3A_63 {offsets = [0], sizes = [1], strides = [1]} : vector<16xi32> to vector<1xi32>
    %squeeze3A_65 = vector.extract %slice3A_64[0] : i32 from vector<1xi32>
    %and3A_66 = arith.constant 127 : i32
    %and3A_67 = arith.andi %squeeze3A_65, %and3A_66 : i32
    %sub3A_68 = arith.subi %squeeze3A_65, %and3A_67 : i32
    %multiple_of3A_69 = tpu.assume_multiple %sub3A_68, 128 : i32
    %dma_wait3A_70 = arith.constant 1 : i32
    %dma_wait3A_71 = arith.constant 0 : i32
    %dma_wait3A_72 = arith.constant 0 : i32
    %dma_wait3A_73 = tpu.memref_slice %arg11[%dma_wait3A_70, %dma_wait3A_71, %dma_wait3A_72] : memref<2x64x128xf32, #tpu.memory_space<vmem>> -> memref<1x64x128xf32, #tpu.memory_space<vmem>>
    %dma_wait3A_74 = tpu.memref_squeeze %dma_wait3A_73 : memref<1x64x128xf32, #tpu.memory_space<vmem>> -> memref<64x128xf32, #tpu.memory_space<vmem>>
    %dma_wait3A_75 = arith.constant 0 : i32
    %dma_wait3A_76 = tpu.memref_slice %arg5[%dma_wait3A_75, %multiple_of3A_69] : memref<64x999999xf32, #tpu.memory_space<hbm>> -> memref<64x128xf32, #tpu.memory_space<hbm>>
    %dma_wait3A_77 = arith.constant 0 : i32
    %dma_wait3A_78 = arith.constant 0 : i32
    %dma_wait3A_79 = tpu.memref_slice %arg11[%dma_wait3A_70, %dma_wait3A_77, %dma_wait3A_78] : memref<2x64x128xf32, #tpu.memory_space<vmem>> -> memref<1x64x128xf32, #tpu.memory_space<vmem>>
    %dma_wait3A_80 = tpu.memref_squeeze %dma_wait3A_79 : memref<1x64x128xf32, #tpu.memory_space<vmem>> -> memref<64x128xf32, #tpu.memory_space<vmem>>
    %dma_wait3A_81 = arith.constant 0 : i32
    %dma_wait3A_82 = tpu.memref_slice %arg5[%dma_wait3A_81, %multiple_of3A_69] : memref<64x999999xf32, #tpu.memory_space<hbm>> -> memref<64x128xf32, #tpu.memory_space<hbm>>
    tpu.wait_dma2 semaphore(%arg16 : memref<!tpu.dma_semaphore, #tpu.memory_space<semaphore_mem>>) src(%dma_wait3A_82 : memref<64x128xf32, #tpu.memory_space<hbm>>) dst(%dma_wait3A_80 : memref<64x128xf32, #tpu.memory_space<vmem>>)
    %gather3A_83 = tpu.vector_load_idx %arg8[%broadcast_in_dim3A] : memref<32xi32, #tpu.memory_space<vmem>>[vector<16xi32>], vector<16xi32>,
    %and3A_84 = arith.constant 127 : i32
    %and3A_85 = vector.broadcast %and3A_84 : i32 to vector<16xi32>
    %and3A_86 = arith.andi %gather3A_83, %and3A_85 : vector<16xi32>
    %gather3A_87 = arith.constant 0 : i32
    %gather3A_88 = arith.constant 0 : i32
    %gather3A_89 = arith.constant 0 : i32
    %gather3A_90 = tpu.memref_slice %arg11[%gather3A_87, %gather3A_88, %gather3A_89] : memref<2x64x128xf32, #tpu.memory_space<vmem>> -> memref<1x64x128xf32, #tpu.memory_space<vmem>>
    %gather3A_91 = tpu.memref_squeeze %gather3A_90 : memref<1x64x128xf32, #tpu.memory_space<vmem>> -> memref<64x128xf32, #tpu.memory_space<vmem>>
    %gather3A_92 = tpu.vector_load_idx %gather3A_91[%iota3A, %and3A_86] : memref<64x128xf32, #tpu.memory_space<vmem>>[vector<16xi32>, vector<16xi32>], vector<16xf32>,
    %mul3A = arith.mulf %gather3A_92, %get3A_37 : vector<16xf32>
    %add3A_93 = arith.constant 16 : i32
    %add3A_94 = vector.broadcast %add3A_93 : i32 to vector<16xi32>
    %add3A_95 = arith.addi %iota3A, %add3A_94 : vector<16xi32>
    %gather3A_96 = arith.constant 0 : i32
    %gather3A_97 = arith.constant 0 : i32
    %gather3A_98 = arith.constant 0 : i32
    %gather3A_99 = tpu.memref_slice %arg11[%gather3A_96, %gather3A_97, %gather3A_98] : memref<2x64x128xf32, #tpu.memory_space<vmem>> -> memref<1x64x128xf32, #tpu.memory_space<vmem>>
    %gather3A_100 = tpu.memref_squeeze %gather3A_99 : memref<1x64x128xf32, #tpu.memory_space<vmem>> -> memref<64x128xf32, #tpu.memory_space<vmem>>
    %gather3A_101 = tpu.vector_load_idx %gather3A_100[%add3A_95, %and3A_86] : memref<64x128xf32, #tpu.memory_space<vmem>>[vector<16xi32>, vector<16xi32>], vector<16xf32>,
    %mul3A_102 = arith.mulf %gather3A_101, %get3A_39 : vector<16xf32>
    %add3A_103 = arith.addf %mul3A, %mul3A_102 : vector<16xf32>
    %add3A_104 = arith.constant 32 : i32
    %add3A_105 = vector.broadcast %add3A_104 : i32 to vector<16xi32>
    %add3A_106 = arith.addi %iota3A, %add3A_105 : vector<16xi32>
    %gather3A_107 = arith.constant 0 : i32
    %gather3A_108 = arith.constant 0 : i32
    %gather3A_109 = arith.constant 0 : i32
    %gather3A_110 = tpu.memref_slice %arg11[%gather3A_107, %gather3A_108, %gather3A_109] : memref<2x64x128xf32, #tpu.memory_space<vmem>> -> memref<1x64x128xf32, #tpu.memory_space<vmem>>
    %gather3A_111 = tpu.memref_squeeze %gather3A_110 : memref<1x64x128xf32, #tpu.memory_space<vmem>> -> memref<64x128xf32, #tpu.memory_space<vmem>>
    %gather3A_112 = tpu.vector_load_idx %gather3A_111[%add3A_106, %and3A_86] : memref<64x128xf32, #tpu.memory_space<vmem>>[vector<16xi32>, vector<16xi32>], vector<16xf32>,
    %mul3A_113 = arith.mulf %gather3A_112, %get3A_41 : vector<16xf32>
    %add3A_114 = arith.addf %add3A_103, %mul3A_113 : vector<16xf32>
    %add3A_115 = arith.constant 48 : i32
    %add3A_116 = vector.broadcast %add3A_115 : i32 to vector<16xi32>
    %add3A_117 = arith.addi %iota3A, %add3A_116 : vector<16xi32>
    %gather3A_118 = arith.constant 0 : i32
    %gather3A_119 = arith.constant 0 : i32
    %gather3A_120 = arith.constant 0 : i32
    %gather3A_121 = tpu.memref_slice %arg11[%gather3A_118, %gather3A_119, %gather3A_120] : memref<2x64x128xf32, #tpu.memory_space<vmem>> -> memref<1x64x128xf32, #tpu.memory_space<vmem>>
    %gather3A_122 = tpu.memref_squeeze %gather3A_121 : memref<1x64x128xf32, #tpu.memory_space<vmem>> -> memref<64x128xf32, #tpu.memory_space<vmem>>
    %gather3A_123 = tpu.vector_load_idx %gather3A_122[%add3A_117, %and3A_86] : memref<64x128xf32, #tpu.memory_space<vmem>>[vector<16xi32>, vector<16xi32>], vector<16xf32>,
    %mul3A_124 = arith.mulf %gather3A_123, %get3A_43 : vector<16xf32>
    %add3A_125 = arith.addf %add3A_114, %mul3A_124 : vector<16xf32>
    %reduce_sum3A = arith.constant true
    %reduce_sum3A_126 = vector.broadcast %reduce_sum3A : i1 to vector<16xi1>
    %reduce_sum3A_127 = tpu.scan <sum>, %add3A_125 masked %reduce_sum3A_126 : vector<16xf32>, vector<16xi1> -> vector<16xf32>
    %reduce_sum3A_128 = vector.extract %reduce_sum3A_127[15] : f32 from vector<16xf32>
    %broadcast_in_dim3A_129 = vector.broadcast %reduce_sum3A_128 : f32 to vector<16xf32>
    %gather3A_130 = tpu.vector_load_idx %arg10[%broadcast_in_dim3A] : memref<32xf32, #tpu.memory_space<vmem>>[vector<16xi32>], vector<16xf32>,
    %mul3A_131 = arith.mulf %broadcast_in_dim3A_129, %gather3A_130 : vector<16xf32>
    %neg3A = arith.constant 0.000000e+00 : f32
    %neg3A_132 = vector.broadcast %neg3A : f32 to vector<16xf32>
    %neg3A_133 = arith.subf %neg3A_132, %mul3A_131 : vector<16xf32>
    %exp3A = math.exp %neg3A_133 : vector<16xf32>
    %add3A_134 = arith.constant 1.000000e+00 : f32
    %add3A_135 = vector.broadcast %add3A_134 : f32 to vector<16xf32>
    %add3A_136 = arith.addf %add3A_135, %exp3A : vector<16xf32>
    %div3A = arith.constant 1.000000e+00 : f32
    %div3A_137 = vector.broadcast %div3A : f32 to vector<16xf32>
    %div3A_138 = arith.divf %div3A_137, %add3A_136 : vector<16xf32>
    %gather3A_139 = tpu.vector_load_idx %arg8[%select_n3A] : memref<32xi32, #tpu.memory_space<vmem>>[vector<16xi32>], vector<16xi32>,
    %and3A_140 = arith.constant 127 : i32
    %and3A_141 = vector.broadcast %and3A_140 : i32 to vector<16xi32>
    %and3A_142 = arith.andi %gather3A_139, %and3A_141 : vector<16xi32>
    %gather3A_143 = arith.constant 1 : i32
    %gather3A_144 = arith.constant 0 : i32
    %gather3A_145 = arith.constant 0 : i32
    %gather3A_146 = tpu.memref_slice %arg11[%gather3A_143, %gather3A_144, %gather3A_145] : memref<2x64x128xf32, #tpu.memory_space<vmem>> -> memref<1x64x128xf32, #tpu.memory_space<vmem>>
    %gather3A_147 = tpu.memref_squeeze %gather3A_146 : memref<1x64x128xf32, #tpu.memory_space<vmem>> -> memref<64x128xf32, #tpu.memory_space<vmem>>
    %gather3A_148 = tpu.vector_load_idx %gather3A_147[%iota3A, %and3A_142] : memref<64x128xf32, #tpu.memory_space<vmem>>[vector<16xi32>, vector<16xi32>], vector<16xf32>,
    %mul3A_149 = arith.mulf %gather3A_148, %get3A_37 : vector<16xf32>
    %add3A_150 = arith.constant 16 : i32
    %add3A_151 = vector.broadcast %add3A_150 : i32 to vector<16xi32>
    %add3A_152 = arith.addi %iota3A, %add3A_151 : vector<16xi32>
    %gather3A_153 = arith.constant 1 : i32
    %gather3A_154 = arith.constant 0 : i32
    %gather3A_155 = arith.constant 0 : i32
    %gather3A_156 = tpu.memref_slice %arg11[%gather3A_153, %gather3A_154, %gather3A_155] : memref<2x64x128xf32, #tpu.memory_space<vmem>> -> memref<1x64x128xf32, #tpu.memory_space<vmem>>
    %gather3A_157 = tpu.memref_squeeze %gather3A_156 : memref<1x64x128xf32, #tpu.memory_space<vmem>> -> memref<64x128xf32, #tpu.memory_space<vmem>>
    %gather3A_158 = tpu.vector_load_idx %gather3A_157[%add3A_152, %and3A_142] : memref<64x128xf32, #tpu.memory_space<vmem>>[vector<16xi32>, vector<16xi32>], vector<16xf32>,
    %mul3A_159 = arith.mulf %gather3A_158, %get3A_39 : vector<16xf32>
    %add3A_160 = arith.addf %mul3A_149, %mul3A_159 : vector<16xf32>
    %add3A_161 = arith.constant 32 : i32
    %add3A_162 = vector.broadcast %add3A_161 : i32 to vector<16xi32>
    %add3A_163 = arith.addi %iota3A, %add3A_162 : vector<16xi32>
    %gather3A_164 = arith.constant 1 : i32
    %gather3A_165 = arith.constant 0 : i32
    %gather3A_166 = arith.constant 0 : i32
    %gather3A_167 = tpu.memref_slice %arg11[%gather3A_164, %gather3A_165, %gather3A_166] : memref<2x64x128xf32, #tpu.memory_space<vmem>> -> memref<1x64x128xf32, #tpu.memory_space<vmem>>
    %gather3A_168 = tpu.memref_squeeze %gather3A_167 : memref<1x64x128xf32, #tpu.memory_space<vmem>> -> memref<64x128xf32, #tpu.memory_space<vmem>>
    %gather3A_169 = tpu.vector_load_idx %gather3A_168[%add3A_163, %and3A_142] : memref<64x128xf32, #tpu.memory_space<vmem>>[vector<16xi32>, vector<16xi32>], vector<16xf32>,
    %mul3A_170 = arith.mulf %gather3A_169, %get3A_41 : vector<16xf32>
    %add3A_171 = arith.addf %add3A_160, %mul3A_170 : vector<16xf32>
    %add3A_172 = arith.constant 48 : i32
    %add3A_173 = vector.broadcast %add3A_172 : i32 to vector<16xi32>
    %add3A_174 = arith.addi %iota3A, %add3A_173 : vector<16xi32>
    %gather3A_175 = arith.constant 1 : i32
    %gather3A_176 = arith.constant 0 : i32
    %gather3A_177 = arith.constant 0 : i32
    %gather3A_178 = tpu.memref_slice %arg11[%gather3A_175, %gather3A_176, %gather3A_177] : memref<2x64x128xf32, #tpu.memory_space<vmem>> -> memref<1x64x128xf32, #tpu.memory_space<vmem>>
    %gather3A_179 = tpu.memref_squeeze %gather3A_178 : memref<1x64x128xf32, #tpu.memory_space<vmem>> -> memref<64x128xf32, #tpu.memory_space<vmem>>
    %gather3A_180 = tpu.vector_load_idx %gather3A_179[%add3A_174, %and3A_142] : memref<64x128xf32, #tpu.memory_space<vmem>>[vector<16xi32>, vector<16xi32>], vector<16xf32>,
    %mul3A_181 = arith.mulf %gather3A_180, %get3A_43 : vector<16xf32>
    %add3A_182 = arith.addf %add3A_171, %mul3A_181 : vector<16xf32>
    %reduce_sum3A_183 = arith.constant true
    %reduce_sum3A_184 = vector.broadcast %reduce_sum3A_183 : i1 to vector<16xi1>
    %reduce_sum3A_185 = tpu.scan <sum>, %add3A_182 masked %reduce_sum3A_184 : vector<16xf32>, vector<16xi1> -> vector<16xf32>
    %reduce_sum3A_186 = vector.extract %reduce_sum3A_185[15] : f32 from vector<16xf32>
    %broadcast_in_dim3A_187 = vector.broadcast %reduce_sum3A_186 : f32 to vector<16xf32>
    %gather3A_188 = tpu.vector_load_idx %arg10[%select_n3A] : memref<32xf32, #tpu.memory_space<vmem>>[vector<16xi32>], vector<16xf32>,
    %mul3A_189 = arith.mulf %broadcast_in_dim3A_187, %gather3A_188 : vector<16xf32>
    %neg3A_190 = arith.constant 0.000000e+00 : f32
    %neg3A_191 = vector.broadcast %neg3A_190 : f32 to vector<16xf32>
    %neg3A_192 = arith.subf %neg3A_191, %mul3A_189 : vector<16xf32>
    %exp3A_193 = math.exp %neg3A_192 : vector<16xf32>
    %add3A_194 = arith.constant 1.000000e+00 : f32
    %add3A_195 = vector.broadcast %add3A_194 : f32 to vector<16xf32>
    %add3A_196 = arith.addf %add3A_195, %exp3A_193 : vector<16xf32>
    %div3A_197 = arith.constant 1.000000e+00 : f32
    %div3A_198 = vector.broadcast %div3A_197 : f32 to vector<16xf32>
    %div3A_199 = arith.divf %div3A_198, %add3A_196 : vector<16xf32>
    %lt3A_200 = arith.constant 4 : i32
    %lt3A_201 = vector.broadcast %lt3A_200 : i32 to vector<16xi32>
    %lt3A_202 = arith.cmpi slt, %broadcast_in_dim3A, %lt3A_201 : vector<16xi32>
    %jit3A = arith.constant 1.000000e+00 : f32
    %broadcast_in_dim3A_203 = vector.broadcast %jit3A : f32 to vector<16xf32>
    %select_n3A_204 = arith.select %lt3A_202, %div3A_199, %broadcast_in_dim3A_203 : vector<16xi1>, vector<16xf32>
    %mul3A_205 = arith.mulf %div3A_138, %select_n3A_204 : vector<16xf32>
    %swap3A = arith.constant 0 : index
    %swap3A_206 = tpu.vector_load %arg12[%swap3A] {strides = array<i32>} : memref<16xf32, #tpu.memory_space<vmem>>, vector<16xf32>,
    tpu.vector_store %arg12[%swap3A], %mul3A_205 {strides = array<i32>} : memref<16xf32, #tpu.memory_space<vmem>>, vector<16xf32>,
    "tpu.region"() ({
      %run_scoped3A = tpu.sem_alloc : memref<!tpu.dma_semaphore, #tpu.memory_space<semaphore_mem>>
      %dma_start3A_209 = arith.constant 0 : i32
      %dma_start3A_210 = tpu.memref_slice %arg6[%arg1, %dma_start3A_209] : memref<16x16xf32, #tpu.memory_space<hbm>> -> memref<1x16xf32, #tpu.memory_space<hbm>>
      %dma_start3A_211 = tpu.memref_squeeze %dma_start3A_210 : memref<1x16xf32, #tpu.memory_space<hbm>> -> memref<16xf32, #tpu.memory_space<hbm>>
      %dma_start3A_212 = arith.constant 0 : i32
      %dma_start3A_213 = tpu.memref_slice %arg6[%arg1, %dma_start3A_212] : memref<16x16xf32, #tpu.memory_space<hbm>> -> memref<1x16xf32, #tpu.memory_space<hbm>>
      %dma_start3A_214 = tpu.memref_squeeze %dma_start3A_213 : memref<1x16xf32, #tpu.memory_space<hbm>> -> memref<16xf32, #tpu.memory_space<hbm>>
      tpu.enqueue_dma source(%arg12 : memref<16xf32, #tpu.memory_space<vmem>>) target(%dma_start3A_214 : memref<16xf32, #tpu.memory_space<hbm>>) target_semaphore(%run_scoped3A : memref<!tpu.dma_semaphore, #tpu.memory_space<semaphore_mem>>)
      %dma_wait3A_215 = arith.constant 0 : i32
      %dma_wait3A_216 = tpu.memref_slice %arg6[%arg1, %dma_wait3A_215] : memref<16x16xf32, #tpu.memory_space<hbm>> -> memref<1x16xf32, #tpu.memory_space<hbm>>
      %dma_wait3A_217 = tpu.memref_squeeze %dma_wait3A_216 : memref<1x16xf32, #tpu.memory_space<hbm>> -> memref<16xf32, #tpu.memory_space<hbm>>
      %dma_wait3A_218 = arith.constant 0 : i32
      %dma_wait3A_219 = tpu.memref_slice %arg6[%arg1, %dma_wait3A_218] : memref<16x16xf32, #tpu.memory_space<hbm>> -> memref<1x16xf32, #tpu.memory_space<hbm>>
      %dma_wait3A_220 = tpu.memref_squeeze %dma_wait3A_219 : memref<1x16xf32, #tpu.memory_space<hbm>> -> memref<16xf32, #tpu.memory_space<hbm>>
      tpu.wait_dma2 semaphore(%run_scoped3A : memref<!tpu.dma_semaphore, #tpu.memory_space<semaphore_mem>>) src(%arg12 : memref<16xf32, #tpu.memory_space<vmem>>) dst(%dma_wait3A_220 : memref<16xf32, #tpu.memory_space<hbm>>)
      tpu.yield
    }) : () -> ()
    %barrier3A = arith.constant 0 : index
    tpu.barrier barrier_id(%barrier3A)
    %eq3A = arith.constant 0 : i32
    %eq3A_207 = arith.cmpi eq, %arg1, %eq3A : i32
    %convert_element_type3A = arith.extui %eq3A_207 : i1 to i32
    %cond3A = arith.constant 0 : i32
    %cond3A_208 = arith.cmpi ne, %convert_element_type3A, %cond3A : i32
    scf.if %cond3A_208 {
      "tpu.region"() ({
        %run_scoped3A = tpu.sem_alloc : memref<!tpu.dma_semaphore, #tpu.memory_space<semaphore_mem>>
        tpu.enqueue_dma source(%arg6 : memref<16x16xf32, #tpu.memory_space<hbm>>) target(%arg13 : memref<16x16xf32, #tpu.memory_space<vmem>>) target_semaphore(%run_scoped3A : memref<!tpu.dma_semaphore, #tpu.memory_space<semaphore_mem>>)
        tpu.wait_dma2 semaphore(%run_scoped3A : memref<!tpu.dma_semaphore, #tpu.memory_space<semaphore_mem>>) src(%arg6 : memref<16x16xf32, #tpu.memory_space<hbm>>) dst(%arg13 : memref<16x16xf32, #tpu.memory_space<vmem>>)
        tpu.yield
      }) : () -> ()
      %broadcast_in_dim3A_209 = arith.constant 0 : i32
      %broadcast_in_dim3A_210 = vector.broadcast %broadcast_in_dim3A_209 : i32 to vector<16xi32>
      %gather3A_211 = tpu.vector_load_idx %arg13[%iota3A, %broadcast_in_dim3A_210] : memref<16x16xf32, #tpu.memory_space<vmem>>[vector<16xi32>, vector<16xi32>], vector<16xf32>,
      %slice3A_212 = vector.extract_strided_slice %gather3A_211 {offsets = [0], sizes = [1], strides = [1]} : vector<16xf32> to vector<1xf32>
      %squeeze3A_213 = vector.extract %slice3A_212[0] : f32 from vector<1xf32>
      %slice3A_214 = vector.extract_strided_slice %gather3A_211 {offsets = [1], sizes = [1], strides = [1]} : vector<16xf32> to vector<1xf32>
      %squeeze3A_215 = vector.extract %slice3A_214[0] : f32 from vector<1xf32>
      %mul3A_216 = arith.mulf %squeeze3A_213, %squeeze3A_215 : f32
      %slice3A_217 = vector.extract_strided_slice %gather3A_211 {offsets = [2], sizes = [1], strides = [1]} : vector<16xf32> to vector<1xf32>
      %squeeze3A_218 = vector.extract %slice3A_217[0] : f32 from vector<1xf32>
      %mul3A_219 = arith.mulf %mul3A_216, %squeeze3A_218 : f32
      %slice3A_220 = vector.extract_strided_slice %gather3A_211 {offsets = [3], sizes = [1], strides = [1]} : vector<16xf32> to vector<1xf32>
      %squeeze3A_221 = vector.extract %slice3A_220[0] : f32 from vector<1xf32>
      %mul3A_222 = arith.mulf %mul3A_219, %squeeze3A_221 : f32
      %slice3A_223 = vector.extract_strided_slice %gather3A_211 {offsets = [4], sizes = [1], strides = [1]} : vector<16xf32> to vector<1xf32>
      %squeeze3A_224 = vector.extract %slice3A_223[0] : f32 from vector<1xf32>
      %mul3A_225 = arith.mulf %mul3A_222, %squeeze3A_224 : f32
      %slice3A_226 = vector.extract_strided_slice %gather3A_211 {offsets = [5], sizes = [1], strides = [1]} : vector<16xf32> to vector<1xf32>
      %squeeze3A_227 = vector.extract %slice3A_226[0] : f32 from vector<1xf32>
      %mul3A_228 = arith.mulf %mul3A_225, %squeeze3A_227 : f32
      %slice3A_229 = vector.extract_strided_slice %gather3A_211 {offsets = [6], sizes = [1], strides = [1]} : vector<16xf32> to vector<1xf32>
      %squeeze3A_230 = vector.extract %slice3A_229[0] : f32 from vector<1xf32>
      %mul3A_231 = arith.mulf %mul3A_228, %squeeze3A_230 : f32
      %slice3A_232 = vector.extract_strided_slice %gather3A_211 {offsets = [7], sizes = [1], strides = [1]} : vector<16xf32> to vector<1xf32>
      %squeeze3A_233 = vector.extract %slice3A_232[0] : f32 from vector<1xf32>
      %mul3A_234 = arith.mulf %mul3A_231, %squeeze3A_233 : f32
      %slice3A_235 = vector.extract_strided_slice %gather3A_211 {offsets = [8], sizes = [1], strides = [1]} : vector<16xf32> to vector<1xf32>
      %squeeze3A_236 = vector.extract %slice3A_235[0] : f32 from vector<1xf32>
      %mul3A_237 = arith.mulf %mul3A_234, %squeeze3A_236 : f32
      %slice3A_238 = vector.extract_strided_slice %gather3A_211 {offsets = [9], sizes = [1], strides = [1]} : vector<16xf32> to vector<1xf32>
      %squeeze3A_239 = vector.extract %slice3A_238[0] : f32 from vector<1xf32>
      %mul3A_240 = arith.mulf %mul3A_237, %squeeze3A_239 : f32
      %slice3A_241 = vector.extract_strided_slice %gather3A_211 {offsets = [10], sizes = [1], strides = [1]} : vector<16xf32> to vector<1xf32>
      %squeeze3A_242 = vector.extract %slice3A_241[0] : f32 from vector<1xf32>
      %mul3A_243 = arith.mulf %mul3A_240, %squeeze3A_242 : f32
      %slice3A_244 = vector.extract_strided_slice %gather3A_211 {offsets = [11], sizes = [1], strides = [1]} : vector<16xf32> to vector<1xf32>
      %squeeze3A_245 = vector.extract %slice3A_244[0] : f32 from vector<1xf32>
      %mul3A_246 = arith.mulf %mul3A_243, %squeeze3A_245 : f32
      %slice3A_247 = vector.extract_strided_slice %gather3A_211 {offsets = [12], sizes = [1], strides = [1]} : vector<16xf32> to vector<1xf32>
      %squeeze3A_248 = vector.extract %slice3A_247[0] : f32 from vector<1xf32>
      %mul3A_249 = arith.mulf %mul3A_246, %squeeze3A_248 : f32
      %slice3A_250 = vector.extract_strided_slice %gather3A_211 {offsets = [13], sizes = [1], strides = [1]} : vector<16xf32> to vector<1xf32>
      %squeeze3A_251 = vector.extract %slice3A_250[0] : f32 from vector<1xf32>
      %mul3A_252 = arith.mulf %mul3A_249, %squeeze3A_251 : f32
      %slice3A_253 = vector.extract_strided_slice %gather3A_211 {offsets = [14], sizes = [1], strides = [1]} : vector<16xf32> to vector<1xf32>
      %squeeze3A_254 = vector.extract %slice3A_253[0] : f32 from vector<1xf32>
      %mul3A_255 = arith.mulf %mul3A_252, %squeeze3A_254 : f32
      %slice3A_256 = vector.extract_strided_slice %gather3A_211 {offsets = [15], sizes = [1], strides = [1]} : vector<16xf32> to vector<1xf32>
      %squeeze3A_257 = vector.extract %slice3A_256[0] : f32 from vector<1xf32>
      %mul3A_258 = arith.mulf %mul3A_255, %squeeze3A_257 : f32
      %broadcast_in_dim3A_259 = vector.broadcast %mul3A_258 : f32 to vector<16xf32>
      %swap3A_260 = arith.constant 0 : index
      %swap3A_261 = tpu.vector_load %arg14[%swap3A_260] {strides = array<i32>} : memref<16xf32, #tpu.memory_space<vmem>>, vector<16xf32>,
      tpu.vector_store %arg14[%swap3A_260], %broadcast_in_dim3A_259 {strides = array<i32>} : memref<16xf32, #tpu.memory_space<vmem>>, vector<16xf32>,
      "tpu.region"() ({
        %run_scoped3A = tpu.sem_alloc : memref<!tpu.dma_semaphore, #tpu.memory_space<semaphore_mem>>
        tpu.enqueue_dma source(%arg14 : memref<16xf32, #tpu.memory_space<vmem>>) target(%arg7 : memref<16xf32, #tpu.memory_space<hbm>>) target_semaphore(%run_scoped3A : memref<!tpu.dma_semaphore, #tpu.memory_space<semaphore_mem>>)
        tpu.wait_dma2 semaphore(%run_scoped3A : memref<!tpu.dma_semaphore, #tpu.memory_space<semaphore_mem>>) src(%arg14 : memref<16xf32, #tpu.memory_space<vmem>>) dst(%arg7 : memref<16xf32, #tpu.memory_space<hbm>>)
        tpu.yield
      }) : () -> ()
    } else {
    }
    return
  }
}

</mosaic_0001>

<sc_bundles>
// kernel: _run.3.cloned.1.call-start
scs
__scs_entry_jumppad:
0x0: {  	(pc) =	sbr.rel $0x88, $3  }
0x1: {  	(tag) =	ssettag $0x0;
	lr =	simm.s32 $0x1  }
0x2: {  	[smem:$0x3F9D] =	sst lr;
	_ =	strace $0xD0000000  }
0x3: {  	_ = 	snop  }
0x4: {  	_ = 	snop  }
0x5: {  	_ = 	snop  }
0x6: {  	_ = 	snop  }
0x7: {  	_ = 	snop  }
__scs_overlays_trampoline_lowered:
0x8: {  	[smem:$0x3FAC] =	sst s0  }
0x9: {  	[smem:$0x3FAD] =	sst s1  }
0xa: {  	[smem:$0x3FAE] =	sst s2  }
0xb: {  	[smem:$0x3FAF] =	sst s3  }
0xc: {  	[smem:$0x3FB0] =	sst s4  }
0xd: {  	[smem:$0x3FB1] =	sst s5  }
0xe: {  	[smem:$0x3FB2] =	sst s6  }
0xf: {  	[smem:$0x3FB3] =	sst s7  }
0x10: {  	[smem:$0x3FB4] =	sst s8  }
0x11: {  	[smem:$0x3FB5] =	sst s9;
	s0 =	simm.s32 @!p0 $0x0  }
0x12: {  	s1 =	sld [smem:$0x3F9B];
	s0 =	simm.s32 @p0 $0x1  }
0x13: {  	[smem:$0x3FB6] =	sst s0;
	s0 =	simm.s32 @!p1 $0x0  }
0x14: {  	s2 =	sld [smem:$0x3F9A];
	s0 =	simm.s32 @p1 $0x1  }
0x15: {  	[smem:$0x3FB7] =	sst s0;
	s0 =	simm.s32 @!p2 $0x0  }
0x16: {  	s3 =	sld [smem:$0x3FDB];
	s0 =	simm.s32 @p2 $0x1  }
0x17: {  	s4 =	simm.s32 $0x1BF5;
	[smem:$0x3FB9] =	sst s0  }
0x18: {  	s0 =	sld [smem:$0x3F9C];
	_ =	swait.ge [sflag:s4], $0x0  }
0x19: {  	s7 =	sld [smem:$0x3F9D]  }
0x1a: {  	s8 =	sadd.s32 $0xFFFFE003, lr  }
0x1b: {  	s9 =	sadd.s32 $0xFFFFFEF7, lr;
	s5 =	simm.s32 $0xFFFFFFFF;
	p2 =	slt.u32 s8, $0xFFFFF086  }
0x1c: {  	p1 =	slt.u32 s9, $0xF7A;
	s5 =	simm.s32 @!p2 $0x0  }
0x1d: {  	s5 =	simm.s32 @p1 $0x1;
	p0 =	seq.s32 s7, s2  }
0x1e: {  	s7 =	smul.u32 @!p0 $0xF7A, s2;
	p2 =	seq.s32 @!p0 s5, $0x0  }
0x1f: {  	s9 =	smul.u32 $0xF7A, s1;
	s8 =	simm.s32 @!p0 $0x1BF5;
	p2 =	por !p2, p0  }
0x20: {  	[sflag:s8] =	ssyncset.s32 @!p0 $0xFFFFF086;
	s6 =	sadd.s32 @!p0 s3, s7;
	s7 =	simm.s32 @!p0 $0x108  }
0x21: {  	s3 =	sadd.s32 s3, s9;
	s6 =	sadd.s32 @!p0 $0x88, s6;
	s7 =	simm.s32 @p2 $0x1082  }
0x22: {  	[simem:s7], [sflag:s8] =	dma.local @!p0 [hbm:s6], $0xF7A  }
0x23: {  	s9 =	sor.u32 $0xD0000000, s2;
	s6 =	simm.s32 $0x108;
	_ =	swait.ge @!p0 [sflag:s8], $0x0  }
0x24: {  	s3 =	sadd.s32 $0x88, s3;
	s6 =	simm.s32 @!p1 $0x1082;
	[sflag:s4] =	ssyncset.s32 $0xFFFFF086  }
0x25: {  	[simem:s6], [sflag:s4] =	dma.local [hbm:s3], $0xF7A  }
0x26: {  	[smem:$0x3F9D] =	sst s1;
	(tag) =	ssettag s2;
	_ =	strace s9  }
0x27: {  	s1 =	sld [smem:$0x3FAD]  }
0x28: {  	s2 =	sld [smem:$0x3FAE]  }
0x29: {  	s4 =	sld [smem:$0x3FB0]  }
0x2a: {  	p0 =	seq.s32 s5, $0x0;
	s5 =	sld [smem:$0x3FB1]  }
0x2b: {  	s6 =	sld [smem:$0x3FB2]  }
0x2c: {  	s7 =	sld [smem:$0x3FB3]  }
0x2d: {  	s3 =	simm.s32 $0x108;
	s8 =	sld [smem:$0x3FB4]  }
0x2e: {  	s3 =	simm.s32 @!p0 $0x1082;
	s9 =	sld [smem:$0x3FB5]  }
0x2f: {  	lr =	sadd.s32 s0, s3;
	s0 =	sld [smem:$0x3FAC]  }
0x30: {  	s3 =	sld [smem:$0x3FAF]  }
0x31: {  	[smem:$0x3FB8] =	sst s10  }
0x32: {  	s10 =	sld [smem:$0x3FB6];
	_ =	sdelay $0x3  }
0x33: {  	p0 =	seq.s32 s10, $0x1;
	s10 =	sld [smem:$0x3FB8];
	_ =	sdelay $0x3  }
0x34: {  	[smem:$0x3FB8] =	sst s10  }
0x35: {  	s10 =	sld [smem:$0x3FB7];
	_ =	sdelay $0x3  }
0x36: {  	p1 =	seq.s32 s10, $0x1;
	s10 =	sld [smem:$0x3FB8];
	_ =	sdelay $0x3  }
0x37: {  	[smem:$0x3FB8] =	sst s10  }
0x38: {  	s10 =	sld [smem:$0x3FB9]  }
0x39: {  	_ = 	snop;
	(pc) =	sbr.ind lr, $3  }
0x3a: {  	_ = 	snop  }
0x3b: {  	_ = 	snop  }
0x3c: {  	p2 =	seq.s32 s10, $0x1;
	s10 =	sld [smem:$0x3FB8]  }
0x3d: {  	_ =	shalt  }
0x3e: {  	_ =	shalt  }
0x3f: {  	_ =	shalt  }
0x40: {  	_ =	shalt  }
0x41: {  	_ =	shalt  }
0x42: {  	_ =	shalt  }
0x43: {  	_ =	shalt  }
0x44: {  	_ =	shalt  }
0x45: {  	_ =	shalt  }
0x46: {  	_ =	shalt  }
0x47: {  	_ =	shalt  }
0x48: {  	_ =	shalt  }
0x49: {  	_ =	shalt  }
0x4a: {  	_ =	shalt  }
0x4b: {  	_ =	shalt  }
0x4c: {  	_ =	shalt  }
0x4d: {  	_ =	shalt  }
0x4e: {  	_ =	shalt  }
0x4f: {  	_ =	shalt  }
0x50: {  	_ =	shalt  }
0x51: {  	_ =	shalt  }
0x52: {  	_ =	shalt  }
0x53: {  	_ =	shalt  }
0x54: {  	_ =	shalt  }
0x55: {  	_ =	shalt  }
0x56: {  	_ =	shalt  }
0x57: {  	_ =	shalt  }
0x58: {  	_ =	shalt  }
0x59: {  	_ =	shalt  }
0x5a: {  	_ =	shalt  }
0x5b: {  	_ =	shalt  }
0x5c: {  	_ =	shalt  }
0x5d: {  	_ =	shalt  }
0x5e: {  	_ =	shalt  }
0x5f: {  	_ =	shalt  }
0x60: {  	_ =	shalt  }
0x61: {  	_ =	shalt  }
0x62: {  	_ =	shalt  }
0x63: {  	_ =	shalt  }
0x64: {  	_ =	shalt  }
0x65: {  	_ =	shalt  }
0x66: {  	_ =	shalt  }
0x67: {  	_ =	shalt  }
0x68: {  	_ =	shalt  }
0x69: {  	_ =	shalt  }
0x6a: {  	_ =	shalt  }
0x6b: {  	_ =	shalt  }
0x6c: {  	_ =	shalt  }
0x6d: {  	_ =	shalt  }
0x6e: {  	_ =	shalt  }
0x6f: {  	_ =	shalt  }
0x70: {  	_ =	shalt  }
0x71: {  	_ =	shalt  }
0x72: {  	_ =	shalt  }
0x73: {  	_ =	shalt  }
0x74: {  	_ =	shalt  }
0x75: {  	_ =	shalt  }
0x76: {  	_ =	shalt  }
0x77: {  	_ =	shalt  }
0x78: {  	_ =	shalt  }
0x79: {  	_ =	shalt  }
0x7a: {  	_ =	shalt  }
0x7b: {  	_ =	shalt  }
0x7c: {  	_ =	shalt  }
0x7d: {  	_ =	shalt  }
0x7e: {  	_ =	shalt  }
0x7f: {  	_ =	shalt  }
0x80: {  	_ =	shalt  }
0x81: {  	_ =	shalt  }
0x82: {  	_ =	shalt  }
0x83: {  	_ =	shalt  }
0x84: {  	_ =	shalt  }
0x85: {  	_ =	shalt  }
0x86: {  	_ =	shalt  }
0x87: {  	_ =	shalt  }
.Lfunc_end0:
.L_simem_size_0:
called_computation_lowered:
.L_overlay_start_0:
0x88: {  	s0 =	sld [smem:$0x3FD9]  }
0x89: {  	s1 =	sld [smem:$0x3FFE];
	_ =	sdelay $0x3  }
0x8a: {  	s0 =	sadd.s32 s1, s0  }
0x8b: {  	[smem:$0x3FC4] =	sst s0  }
0x8c: {  	_ = 	snop  }
0x8d: {  	s0 =	sld [smem:$0x3FC9]  }
0x8e: {  	s16 =	sld [smem:$0x3FC8]  }
0x8f: {  	s2 =	sld [smem:$0x3FC7]  }
0x90: {  	s3 =	sld [smem:$0x3FC6]  }
0x91: {  	s4 =	sld [smem:$0x3FD0];
	(tm) =	ssettm $0x1  }
0x92: {  	s5 =	sld [smem:$0x3FFB];
	_ =	sdelay $0x3  }
0x93: {  	_ =	strace s5  }
0x94: {  	s5 =	sld [smem:$0x3FFC];
	_ =	sdelay $0x3  }
0x95: {  	_ =	strace s5  }
0x96: {  	s5 =	sld [smem:$0x3FFD];
	_ =	sdelay $0x3  }
0x97: {  	_ =	strace s5  }
0x98: {  	_ =	strace $0x8FFFFFFF  }
0x99: {  	s17 =	sld [smem:$0x3FDB];
	_ =	sdelay $0x1  }
0x9a: {  	s6 =	simm.s32 $_scs_section_size  }
0x9b: {  	s7 =	simm.s32 $_size__tile_overlayer_lowered;
	s8 =	simm.s32 $_tile_overlayer_lowered  }
0x9c: {  	s20 =	simm.s32 $0x1BFF;
	s19 =	sshll.u32 s8, $0x1;
	s5 =	sadd.s32 s6, s17  }
0x9d: {  	s9 =	simm.s32 $0x0;
	s18 =	sshll.u32 s7, $0x1;
	s7 =	sadd.s32 s19, s5  }
0x9e: {  	[timem:s9], [sflag:s20] =	dma.local [hbm:s7], s18  }
0x9f: {  	_ =	swait.ge [sflag:s20], s18  }
0xa0: {  	s6 =	ssub.s32 $0x0, s18;
	[sflag:s20] =	ssyncset.done $0x0  }
0xa1: {  	[sflag:s20] =	ssyncadd.s32 s6;
	_ =	sdelay $0x1  }
0xa2: {  	s21 =	simm.s32 $0x1B8B  }
0xa3: {  	_ =	swait.ge [sflag:s21], $0x1  }
0xa4: {  	[sflag:s21] =	ssyncset.done $0x0  }
0xa5: {  	s23 =	simm.s32 $0x1B8E;
	s22 =	sld [smem:$0x3FFE];
	[sflag:s21] =	ssyncadd.s32 $0xFFFFFFFF  }
0xa6: {  	s24 =	simm.s32 $execute0_lowered;
	[smem:$0x3FD2] =	sst s23  }
0xa7: {  	s7 =	sshll.u32 s24, $0x1;
	_ =	strace $0x80000046;
	[dreg:$0x1] =	wrdreg $0xFFFFFFFF  }
0xa8: {  	s25 =	simm.s32 $_size_execute0_lowered;
	s5 =	sadd.s32 s5, s7;
	[dreg:$0x0] =	wrdreg $0x0  }
0xa9: {  	s7 =	sshll.u32 s25, $0x1;
	[dreg:$0x2] =	wrdreg s5  }
0xaa: {  	[dreg:$0x3] =	wrdreg s7  }
0xab: {  	[dreg:$0x4] =	wrdreg $0xC0  }
0xac: {  	_ =	task [dreg:s9], $0x5FFFF  }
0xad: {  	[dreg:$0x1] =	wrdreg $0xFFFFFFFF  }
0xae: {  	[dreg:$0x0] =	wrdreg $0x60  }
0xaf: {  	[dreg:$0x2] =	wrdreg s0  }
0xb0: {  	[dreg:$0x3] =	wrdreg s16  }
0xb1: {  	[dreg:$0x4] =	wrdreg s2  }
0xb2: {  	[dreg:$0x5] =	wrdreg s3  }
0xb3: {  	[dreg:$0x6] =	wrdreg s22  }
0xb4: {  	[dreg:$0x7] =	wrdreg s4  }
0xb5: {  	[dreg:$0x8] =	wrdreg $0x9  }
0xb6: {  	_ =	task.clear_ibuf [dreg:s9], $0x9FFFF;
	_ =	strace $0x90000046  }
0xb7: {  	s26 =	simm.s32 $0x9;
	_ =	strace $0x80000048  }
0xb8: {  	_ =	swait.ge [sflag:s26], $0x1  }
0xb9: {  	[sflag:s26] =	ssyncadd.s32 $0xFFFFFFFF  }
0xba: {  	_ =	strace $0x90000048  }
0xbb: {  	_ =	sfence  }
0xbc: {  	s28 =	sld [smem:$0x0];
	_ =	sdelay $0x1  }
0xbd: {  	s29 =	srdreg.scid  }
0xbe: {  	s30 =	sshll.u32 s29, $0xD;
	s31 =	sshrl.u32 s29, $0x2  }
0xbf: {  	s1 =	sand.u32 $0x1, s29;
	s2 =	sand.u32 $0x4000, s30;
	s0 =	sadd.s32 s31, s28  }
0xc0: {  	s1 =	sor.u32 s2, s1;
	s0 =	sshll.u32 s0, $0x11  }
0xc1: {  	s0 =	sor.u32 s0, s1  }
0xc2: {  	s0 =	sadd.s32 $0x8F2B, s0  }
0xc3: {  	[sflag:s0] =	ssyncadd.remote.s32 $0x1  }
0xc4: {  	_ =	sfence.sel $0xFFFF  }
0xc5: {  	[dreg:$0x0] =	wrdreg $0xFFFFFFFF;
	(pc) =	sbr.abs _section_cstart, $3  }
0xc6: {  	[dreg:$0x1] =	wrdreg $0xFFFFFFFF  }
0xc7: {  	_ =	task.clear_ibuf [dreg:s9], $0x2FFFF;
	_ =	strace $0x9FFFFFFF  }
0xc8: {  	(tm) =	ssettm $0x7FFFFFFF  }
0xc9: {  	_ =	shalt  }
tec
execute0_lowered:
.L_overlay_start_1:
0x0: {  	(tag) =	ssettag $0x1  }
0x1: {  	s5 =	rddreg [dreg:$0x0]  }
0x2: {  	s3 =	rddreg [dreg:$0x1]  }
0x3: {  	s7 =	rddreg [dreg:$0x2]  }
0x4: {  	s8 =	rddreg [dreg:$0x3]  }
0x5: {  	s4 =	rddreg [dreg:$0x4]  }
0x6: {  	s1 =	rddreg [dreg:$0x5];
	s2 =	simm.s32 $0x0  }
0x7: {  	[smem:$0x7FF] =	sst s2  }
0x8: {  	s0 =	rddreg [dreg:$0x6];
	_ =	strace $0x80000047  }
0x9: {  	[tilespmem:s2], [sflag:$0x3] =	stream.linear.gather [hbm4b:s3+s2], $0x14, $0x38;
	[tilespmem:$0x4A80] =	vst v63  }
0xa: {  	s3 =	simm.s32 $0x3  }
0xb: {  	_ =	swait.ge [sflag:s3], $0x14  }
0xc: {  	[sflag:s3] =	ssyncset.done $0x0  }
0xd: {  	s6 =	simm.s32 $0x80;
	[sflag:s3] =	ssyncadd.s32 $0xFFFFFFEC  }
0xe: {  	[tilespmem:s6], [sflag:$0x3] =	stream.linear.gather [hbm4b:s5+s2], $0x80, $0x38;
	[tilespmem:$0x4A80] =	vst v63  }
0xf: {  	_ =	swait.ge [sflag:s3], $0x80  }
0x10: {  	s22 =	stileid.u32;
	[sflag:s3] =	ssyncset.done $0x0  }
0x11: {  	s23 =	simm.s32 $0x100;
	v1 =	vmov s22;
	[sflag:s3] =	ssyncadd.s32 $0xFFFFFF80  }
0x12: {  	[tilespmem:s23], [sflag:$0x3] =	stream.linear.gather [hbm4b:s7+s2], $0x14, $0x38;
	[tilespmem:$0x4A80] =	vst v63  }
0x13: {  	_ =	swait.ge [sflag:s3], $0x14  }
0x14: {  	[sflag:s3] =	ssyncset.done $0x0  }
0x15: {  	[sflag:s3] =	ssyncadd.s32 $0xFFFFFFEC  }
0x16: {  	v0 =	vld.idx.msk [tilespmem:v1+s2+$0x0], $0xffff;
	_ =	sdelay $0x4  }
0x17: {  	(v2sf) =	vpush v0, $0x0;
	_ =	sdelay $0xc  }
0x18: {  	vm0 =	vlt.u32 v1, $0x4;
	v0 =	vor.u32 $0x10, v1  }
0x19: {  	v2 =	vnsel vm0, s22, v0  }
0x1a: {  	s24 =	spop (v2sf)  }
0x1b: {  	s9 =	simm.s32 $0x400;
	s7 =	sand.u32 $0xFFFFF80, s24  }
0x1c: {  	s10 =	simm.s32 $0x7A1400;
	s11 =	simm.s32 $0x180;
	s7 =	sadd.s32 s8, s7  }
0x1d: {  	[tilespmem:s11], [sflag:$0x1] =	stream.strided.gather [hbm4b:s7+s9], $0x2000, s10, s9, $0x38;
	[tilespmem:$0x4A80] =	vst v63  }
0x1e: {  	v0 =	vld.idx.msk [tilespmem:v2+s2+$0x0], $0xffff;
	_ =	sdelay $0x4  }
0x1f: {  	(v2sf) =	vpush v0, $0x0;
	_ =	sdelay $0xe  }
0x20: {  	s25 =	spop (v2sf)  }
0x21: {  	s7 =	sand.u32 $0xFFFFF80, s25  }
0x22: {  	s26 =	simm.s32 $0x2180;
	s7 =	sadd.s32 s8, s7  }
0x23: {  	[tilespmem:s26], [sflag:$0x2] =	stream.strided.gather [hbm4b:s7+s9], $0x2000, s10, s9, $0x38;
	[tilespmem:$0x4A80] =	vst v63  }
0x24: {  	v3 =	vld [tilespmem:$0x80]  }
0x25: {  	v4 =	vld [tilespmem:$0x90]  }
0x26: {  	s28 =	simm.s32 $0x1;
	v5 =	vld [tilespmem:$0xA0]  }
0x27: {  	v6 =	vld [tilespmem:$0xB0];
	_ =	swait.ge [sflag:s28], $0x2000  }
0x28: {  	[sflag:s28] =	ssyncset.done $0x0  }
0x29: {  	s29 =	simm.s32 $0x2;
	[sflag:s28] =	ssyncadd.s32 $0xFFFFE000  }
0x2a: {  	_ =	swait.ge [sflag:s29], $0x2000  }
0x2b: {  	[sflag:s29] =	ssyncset.done $0x0  }
0x2c: {  	[sflag:s29] =	ssyncadd.s32 $0xFFFFE000  }
0x2d: {  	v7 =	vld.idx.msk [tilespmem:v1+s2+$0x0], $0xffff;
	_ =	sdelay $0x2  }
0x2e: {  	v0 =	vlaneseq.u32  }
0x2f: {  	v0 =	vmul.u32 $0x80, v0  }
0x30: {  	v7 =	vand.u32 $0x7F, v7  }
0x31: {  	v9 =	vor.u32 $0x800, v0;
	v8 =	vor.u32 v0, v7  }
0x32: {  	v10 =	vor.u32 v9, v7  }
0x33: {  	v11 =	vor.u32 $0x1000, v0  }
0x34: {  	v12 =	vor.u32 v11, v7  }
0x35: {  	v13 =	vor.u32 $0x1800, v0  }
0x36: {  	v7 =	vor.u32 v13, v7;
	v8 =	vld.idx.msk [tilespmem:v8+s11+$0x0], $0xffff  }
0x37: {  	v10 =	vld.idx.msk [tilespmem:v10+s11+$0x0], $0xffff  }
0x38: {  	v14 =	vld.idx.msk [tilespmem:v2+s2+$0x0], $0xffff  }
0x39: {  	v12 =	vld.idx.msk [tilespmem:v12+s11+$0x0], $0xffff;
	_ =	sdelay $0x1  }
0x3a: {  	v7 =	vld.idx.msk [tilespmem:v7+s11+$0x0], $0xffff  }
0x3b: {  	v8 =	vmul.f32 v8, v3;
	v10 =	vmul.f32 v10, v4  }
0x3c: {  	v14 =	vand.u32 $0x7F, v14  }
0x3d: {  	v55 =	vor.u32 v0, v14;
	v54 =	vmul.f32 v12, v5;
	v8 =	vadd.f32 v10, v8  }
0x3e: {  	v9 =	vor.u32 v9, v14  }
0x3f: {  	v7 =	vmul.f32 v7, v6;
	v8 =	vadd.f32 v54, v8  }
0x40: {  	v56 =	vor.u32 v11, v14  }
0x41: {  	v7 =	vadd.f32 v7, v8  }
0x42: {  	v57 =	vor.u32 v13, v14;
	v58 =	vld.idx.msk [tilespmem:v55+s26+$0x0], $0xffff  }
0x43: {  	v59 =	vld.idx.msk [tilespmem:v9+s26+$0x0], $0xffff;
	(xrf2) =	vadd.scan.msk.f32 $0xffff, v7;
	_ =	sdelay $0x1  }
0x44: {  	v60 =	vld.idx.msk [tilespmem:v56+s26+$0x0], $0xffff;
	_ =	sdelay $0x1  }
0x45: {  	v8 =	vld.idx.msk [tilespmem:v57+s26+$0x0], $0xffff  }
0x46: {  	v3 =	vmul.f32 v58, v3;
	v4 =	vmul.f32 v59, v4;
	_ =	sdelay $0x1  }
0x47: {  	v61 =	vmul.f32 v60, v5;
	v3 =	vadd.f32 v4, v3  }
0x48: {  	v1 =	vld.idx.msk [tilespmem:v1+s23+$0x0], $0xffff  }
0x49: {  	v3 =	vadd.f32 v61, v3;
	v62 =	vmul.f32 v8, v6  }
0x4a: {  	v63, _, _ =	vpop (xrf2)  }
0x4b: {  	v3 =	vadd.f32 v62, v3;
	v5 =	vbroadcast v63, $0xF;
	_ =	sdelay $0x1  }
0x4c: {  	(xrf2) =	vadd.scan.msk.f32 $0xffff, v3;
	v1 =	vmul.f32 v5, v1;
	_ =	sdelay $0x1  }
0x4d: {  	v1 =	vsub.f32 $0.0e+00, v1;
	_ =	sdelay $0x1  }
0x4e: {  	v1 =	vmul.f32 $1.442695020e+00, v1;
	_ =	sdelay $0x1  }
0x4f: {  	(erf) = vpow2.f32 v1;
	_ =	sdelay $0x1  }
0x50: {  	v1 =	vld.idx.msk [tilespmem:v2+s23+$0x0], $0xffff;
	_ =	sdelay $0x1  }
0x51: {  	v2, _, _ =	vpop (xrf2)  }
0x52: {  	v2 =	vbroadcast v2, $0xF;
	_ =	sdelay $0x1  }
0x53: {  	v1 =	vmul.f32 v2, v1;
	_ =	sdelay $0x1  }
0x54: {  	v1 =	vsub.f32 $0.0e+00, v1;
	v2 =	vpop (erf)  }
0x55: {  	v2 =	vadd.f32 $1.000000000e+00, v2  }
0x56: {  	v1 =	vmul.f32 $1.442695020e+00, v1  }
0x57: {  	(erf) = vrcp.f32 v2  }
0x58: {  	(erf) = vpow2.f32 v1;
	_ =	sdelay $0x7  }
0x59: {  	v1 =	vpop (erf)  }
0x5a: {  	v2 =	vpop (erf)  }
0x5b: {  	v2 =	vadd.f32 $1.000000000e+00, v2;
	_ =	sdelay $0x1  }
0x5c: {  	(erf) = vrcp.f32 v2;
	_ =	sdelay $0x8  }
0x5d: {  	v2 =	vpop (erf)  }
0x5e: {  	v2 =	vnsel vm0, $0x3F800000, v2  }
0x5f: {  	v1 =	vmul.f32 v2, v1  }
0x60: {  	s4 =	sadd.s32 $0x800, s4;
	s30 =	sshll.u32 s22, $0x4  }
0x61: {  	s31 =	simm.s32 $0x4180;
	s6 =	sadd.s32 s4, s30;
	[tilespmem:$0x4180] =	vst v1  }
0x62: {  	[hbm4b:s6+s2] =	stream.linear.scatter [tilespmem:s31], [sflag:$0x3], $0x80, $0x38;
	[tilespmem:$0x4A80] =	vst v63  }
0x63: {  	_ =	swait.ge [sflag:s3], $0x80  }
0x64: {  	[sflag:s3] =	ssyncset.done $0x0  }
0x65: {  	[sflag:s3] =	ssyncadd.s32 $0xFFFFFF80  }
0x66: {  	p0 =	sne.s32 s22, $0x0;
	[bflag:$0x0] =	sbarrier.arrive $0xFFFF  }
0x67: {  	_ =	sfence.sel @p0 $0x180000  }
0x68: {  	[bflag:$0x0] =	sbarrier.arrive @p0 $0xFFFF  }
0x69: {  	_ =	strace @p0 $0x90000047  }
0x6a: {  	[bflag:$0x2] =	sbarrier.arrive @p0 $0xFFFF  }
0x6b: {  	_ =	shalt @p0  }
.LBB2_1:
0x6c: {  	s5 =	simm.s32 $0x4200  }
0x6d: {  	[tilespmem:s5], [sflag:$0x3] =	stream.linear.gather [hbm4b:s4+s2], $0x800, $0x38;
	[tilespmem:$0x4A80] =	vst v63  }
0x6e: {  	_ =	swait.ge [sflag:s3], $0x800  }
0x6f: {  	[sflag:s3] =	ssyncset.done $0x0  }
0x70: {  	[sflag:s3] =	ssyncadd.s32 $0xFFFFF800  }
0x71: {  	v0 =	vld.idx.msk [tilespmem:v0+s5+$0x0], $0xffff;
	_ =	sdelay $0x4  }
0x72: {  	(v2sf) =	vpush v0, $0x0  }
0x73: {  	(v2sf) =	vpush v0, $0x1;
	_ =	sdelay $0x1  }
0x74: {  	(v2sf) =	vpush v0, $0x2;
	_ =	sdelay $0x1  }
0x75: {  	(v2sf) =	vpush v0, $0x3;
	_ =	sdelay $0x1  }
0x76: {  	(v2sf) =	vpush v0, $0x4;
	_ =	sdelay $0x1  }
0x77: {  	(v2sf) =	vpush v0, $0x5;
	_ =	sdelay $0x1  }
0x78: {  	(v2sf) =	vpush v0, $0x6;
	_ =	sdelay $0x1  }
0x79: {  	(v2sf) =	vpush v0, $0x7;
	_ =	sdelay $0x1  }
0x7a: {  	s14 =	spop (v2sf);
	(v2sf) =	vpush v0, $0x8  }
0x7b: {  	s15 =	spop (v2sf)  }
0x7c: {  	(v2sf) =	vpush v0, $0x9;
	s4 =	smul.f32 s15, s14  }
0x7d: {  	s16 =	spop (v2sf)  }
0x7e: {  	(v2sf) =	vpush v0, $0xA;
	s4 =	smul.f32 s4, s16  }
0x7f: {  	s17 =	spop (v2sf)  }
0x80: {  	(v2sf) =	vpush v0, $0xB;
	s4 =	smul.f32 s4, s17  }
0x81: {  	s18 =	spop (v2sf)  }
0x82: {  	(v2sf) =	vpush v0, $0xC;
	s4 =	smul.f32 s4, s18  }
0x83: {  	s19 =	spop (v2sf)  }
0x84: {  	(v2sf) =	vpush v0, $0xD;
	s4 =	smul.f32 s4, s19  }
0x85: {  	s20 =	spop (v2sf)  }
0x86: {  	(v2sf) =	vpush v0, $0xE;
	s4 =	smul.f32 s4, s20  }
0x87: {  	s21 =	spop (v2sf)  }
0x88: {  	(v2sf) =	vpush v0, $0xF;
	s4 =	smul.f32 s4, s21  }
0x89: {  	s22 =	spop (v2sf)  }
0x8a: {  	s4 =	smul.f32 s4, s22  }
0x8b: {  	s23 =	spop (v2sf)  }
0x8c: {  	s4 =	smul.f32 s4, s23  }
0x8d: {  	s24 =	spop (v2sf)  }
0x8e: {  	s4 =	smul.f32 s4, s24  }
0x8f: {  	s25 =	spop (v2sf)  }
0x90: {  	s4 =	smul.f32 s4, s25  }
0x91: {  	s26 =	spop (v2sf)  }
0x92: {  	s4 =	smul.f32 s4, s26  }
0x93: {  	s28 =	spop (v2sf)  }
0x94: {  	s4 =	smul.f32 s4, s28  }
0x95: {  	s29 =	spop (v2sf)  }
0x96: {  	s4 =	smul.f32 s4, s29  }
0x97: {  	s30 =	spop (v2sf)  }
0x98: {  	s4 =	smul.f32 s4, s30;
	_ =	sdelay $0x1  }
0x99: {  	v63 =	vmov s4  }
0x9a: {  	s31 =	simm.s32 $0x4A00;
	[tilespmem:$0x4A00] =	vst v63  }
0x9b: {  	[hbm4b:s1+s2] =	stream.linear.scatter [tilespmem:s31], [sflag:$0x3], $0x80, $0x38;
	[tilespmem:$0x4A80] =	vst v63  }
0x9c: {  	_ =	swait.ge [sflag:s3], $0x80  }
0x9d: {  	[sflag:s3] =	ssyncset.done $0x0  }
0x9e: {  	[sflag:s3] =	ssyncadd.s32 $0xFFFFFF80  }
0x9f: {  	_ =	sfence.sel $0x180000  }
0xa0: {  	[bflag:$0x0] =	sbarrier.arrive $0xFFFF  }
0xa1: {  	_ =	strace $0x90000047  }
0xa2: {  	s0 =	sadd.s32 $0x100000, s0;
	[bflag:$0x2] =	sbarrier.arrive $0xFFFF  }
0xa3: {  	[sflag:s0] =	ssyncadd.tile.s32 $0x1;
	_ =	shalt  }
.Lfunc_end2:
_tile_overlayer_lowered:
.L_overlay_start_2:
0xa4: {  	(tag) =	ssettag $0x2  }
0xa5: {  	s0 =	rddreg [dreg:$0x0];
	s2 =	stileid.u32  }
0xa6: {  	s1 =	rddreg [dreg:$0x1];
	p0 =	sne.s32 s2, $0x0  }
0xa7: {  	s3 =	rddreg [dreg:$0x2];
	[bflag:$0x3] =	sbarrier.arrive $0xFFFF;
	s2 =	simm.s32 @!p0 $0x1C03  }
0xa8: {  	[timem:s3], [sflag:s2] =	dma.local @!p0 [hbm:s0], s1  }
0xa9: {  	s0 =	simm.s32 @!p0 $0x3  }
0xaa: {  	_ =	swait.ge @!p0 [sflag:s0], s1  }
0xab: {  	s1 =	ssub.s32 @!p0 $0x0, s1;
	[sflag:s0] =	ssyncset.done @!p0 $0x0  }
0xac: {  	[sflag:s0] =	ssyncadd.s32 @!p0 s1  }
0xad: {  	[bflag:$0x3] =	sbarrier.arrive $0xFFFF  }
0xae: {  	_ =	shalt  }

</sc_bundles>
